<compile_context>
chip_gen: v7x
topology: tpu7x:2x2x1
jax: 0.10.2.dev20260603
libtpu: 0.0.44.dev20260713+nightly
codegen_flags: <defaults>
</compile_context>

<pallas_src>
import functools

import jax
import jax.numpy as jnp
from jax import lax
from jax.experimental import pallas as pl
from jax.experimental.pallas import tpu as pltpu
from jax.experimental.pallas import tpu_sc as plsc

BATCH = 16384
SLOTS = 26
FID_DIMS = 4
PACK = 8
GROUP = 16
GROUP_B_LO = SLOTS - GROUP
LANES = 128
NROWS = BATCH * GROUP // LANES
NWORKERS = 32
ROWS_PER_W = NROWS // NWORKERS
SAMP_PER_W = BATCH // NWORKERS
DEPTH = 4


def _sc_gather_body(fids_hbm, t8_hbm, outa_hbm, outb_hbm,
                    fids_v, idxa_v, idxb_v, dst_v, sem):
    wid = lax.axis_index("s") * 2 + lax.axis_index("c")
    base = wid * ROWS_PER_W
    pltpu.sync_copy(fids_hbm.at[pl.ds(wid * SAMP_PER_W, SAMP_PER_W)], fids_v)

    def build(j, carry):
        for q in range(8):
            s = 8 * j + q
            idxa_v[j, pl.ds(16 * q, 16)] = fids_v[s, pl.ds(0, GROUP)]
            idxb_v[j, pl.ds(16 * q, 16)] = fids_v[s, pl.ds(GROUP_B_LO, GROUP)]
        return carry

    lax.fori_loop(0, ROWS_PER_W, build, 0)

    for idx_v, out_hbm in ((idxa_v, outa_hbm), (idxb_v, outb_hbm)):

        def wait_for(j, idx_v=idx_v):
            pltpu.make_async_copy(t8_hbm.at[idx_v.at[j]], dst_v.at[j],
                                  sem).wait()

        def fire(j, carry, idx_v=idx_v, wait_for=wait_for):
            pltpu.async_copy(t8_hbm.at[idx_v.at[j]], dst_v.at[j], sem)

            @pl.when(j >= DEPTH)
            def _():
                wait_for(j - DEPTH)

            return carry

        lax.fori_loop(0, ROWS_PER_W, fire, 0)

        def drain(j, carry, wait_for=wait_for):
            wait_for(j)
            return carry

        lax.fori_loop(ROWS_PER_W - DEPTH, ROWS_PER_W, drain, 0)
        pltpu.sync_copy(dst_v, out_hbm.at[pl.ds(base, ROWS_PER_W)])


@functools.cache
def _sc_gather():
    return functools.partial(
        pl.kernel,
        out_type=(
            jax.ShapeDtypeStruct((NROWS, LANES, PACK), jnp.float32),
            jax.ShapeDtypeStruct((NROWS, LANES, PACK), jnp.float32),
        ),
        mesh=plsc.VectorSubcoreMesh(core_axis_name="c", subcore_axis_name="s",
                                    num_cores=2, num_subcores=16),
        scratch_types=[
            pltpu.VMEM((SAMP_PER_W, SLOTS), jnp.int32),
            pltpu.VMEM((ROWS_PER_W, LANES), jnp.int32),
            pltpu.VMEM((ROWS_PER_W, LANES), jnp.int32),
            pltpu.VMEM((ROWS_PER_W, LANES, PACK), jnp.float32),
            pltpu.SemaphoreType.DMA,
        ],
        compiler_params=pltpu.CompilerParams(use_tc_tiling_on_sc=False),
    )(_sc_gather_body)


BLK = 2048
GW = GROUP * PACK


def _mlp_body(xa_ref, xb_ref, w1a_ref, w1b_ref, b1_ref, w2t_ref, b2_ref,
              w3t_ref, b3_ref, out_ref):
    p = jnp.dot(xa_ref[...], w1a_ref[...], preferred_element_type=jnp.float32)
    p = p + jnp.dot(xb_ref[...], w1b_ref[...],
                    preferred_element_type=jnp.float32)
    h = jnp.maximum(p[:, :16] + b1_ref[...], 0.0)
    bias_mean = p[:, 16]
    h = jnp.dot(h, w2t_ref[...], preferred_element_type=jnp.float32)
    h = jnp.maximum(h + b2_ref[...], 0.0)
    nn = jnp.dot(h, w3t_ref[...], preferred_element_type=jnp.float32)
    out_ref[...] = bias_mean + nn[:, 0] + b3_ref[0, 0]


def _mlp_call(xa, xb, w1a, w1b, b1, w2t, b2, w3t, b3):
    grid = BATCH // BLK
    return pl.pallas_call(
        _mlp_body,
        grid=(grid,),
        in_specs=[
            pl.BlockSpec((BLK, GW), lambda i: (i, 0)),
            pl.BlockSpec((BLK, GW), lambda i: (i, 0)),
            pl.BlockSpec((GW, 17), lambda i: (0, 0)),
            pl.BlockSpec((GW, 17), lambda i: (0, 0)),
            pl.BlockSpec((1, 16), lambda i: (0, 0)),
            pl.BlockSpec((16, 8), lambda i: (0, 0)),
            pl.BlockSpec((1, 8), lambda i: (0, 0)),
            pl.BlockSpec((8, 1), lambda i: (0, 0)),
            pl.BlockSpec((1, 1), lambda i: (0, 0)),
        ],
        out_specs=pl.BlockSpec((BLK,), lambda i: (i,)),
        out_shape=jax.ShapeDtypeStruct((BATCH,), jnp.float32),
    )(xa, xb, w1a, w1b, b1, w2t, b2, w3t, b3)


def _expand_w1(W1):
    w = W1.T.reshape(SLOTS, FID_DIMS, 16)
    w = jnp.concatenate(
        [w, jnp.zeros((SLOTS, PACK - FID_DIMS, 16), jnp.float32)], axis=1)
    e = jnp.zeros((SLOTS, PACK, 1), jnp.float32).at[:, FID_DIMS, 0].set(
        1.0 / SLOTS)
    we = jnp.concatenate([w, e], axis=2)
    wa = we[:GROUP]
    wb = we[GROUP_B_LO:].at[:GROUP - GROUP_B_LO].set(0.0)
    return wa.reshape(GW, 17), wb.reshape(GW, 17)


def kernel(fids_batch, table_w, table_b, W1, b1, W2, b2, W3, b3):
    fids = fids_batch.astype(jnp.int32)
    t8 = jnp.concatenate(
        [table_w,
         jnp.broadcast_to(table_b[:, None],
                          (table_w.shape[0], PACK - FID_DIMS))],
        axis=1)
    rows_a, rows_b = _sc_gather()(fids, t8)
    xa = rows_a.reshape(BATCH, GW)
    xb = rows_b.reshape(BATCH, GW)
    w1a, w1b = _expand_w1(W1)
    return _mlp_call(
        xa, xb, w1a, w1b,
        b1.reshape(1, 16),
        W2.T, b2.reshape(1, 8),
        W3.T, b3.reshape(1, 1),
    )

# --- scband reference (transcript-rebuilt; emitter-appended) ---
"""Pipeline reference for scband-dnnmodel-56384330661998 (READ-ONLY COPY).

The authoritative reference and input builder live on the scoring server;
editing this copy changes nothing except your own understanding.
"""

import jax, jax.numpy as jnp
import numpy as np

VOCAB = 1000000
SLOTS = 26
FID_DIMS = 4
BATCH = 16384
H1, H2 = 16, 8
IN_DIM = FID_DIMS * SLOTS


def _kaiming_uniform(key, fan_in, shape):
    # torch.nn.init.kaiming_uniform_ default: a=sqrt(5) -> bound = sqrt(6/((1+a^2)*fan_in)) ~ sqrt(1/fan_in)
    bound = float(np.sqrt(1.0 / fan_in))
    return jax.random.uniform(key, shape, jnp.float32, -bound, bound)


def setup_inputs(seed: int = 0) -> dict:
    key = jax.random.key(seed)
    ks = jax.random.split(key, 8)
    fids_batch = jax.random.randint(ks[0], (BATCH, SLOTS), 0, VOCAB, dtype=jnp.int64) if jax.config.jax_enable_x64 else jax.random.randint(ks[0], (BATCH, SLOTS), 0, VOCAB)
    # per-fid embedding weights (fid_dims=4) and per-fid scalar bias (include_bias=True)
    table_w = jax.random.normal(ks[1], (VOCAB, FID_DIMS), dtype=jnp.float32) * 0.01
    table_b = jax.random.normal(ks[2], (VOCAB,), dtype=jnp.float32) * 0.01
    W1 = _kaiming_uniform(ks[3], IN_DIM, (H1, IN_DIM))
    b1 = jnp.zeros((H1,), dtype=jnp.float32)
    W2 = _kaiming_uniform(ks[4], H1, (H2, H1))
    b2 = jnp.zeros((H2,), dtype=jnp.float32)
    W3 = _kaiming_uniform(ks[5], H2, (1, H2))
    b3 = jnp.zeros((1,), dtype=jnp.float32)
    return {
        'fids_batch': fids_batch,
        'table_w': table_w,
        'table_b': table_b,
        'W1': W1, 'b1': b1,
        'W2': W2, 'b2': b2,
        'W3': W3, 'b3': b3,
    }


def reference(fids_batch, table_w, table_b, W1, b1, W2, b2, W3, b3):
    B = fids_batch.shape[0]
    # per-sample: concat per-fid embeddings -> [B, slot_num*fid_dims]
    emb = jnp.take(table_w, fids_batch, axis=0).reshape(B, SLOTS * FID_DIMS)
    # per-sample: concat per-fid biases -> [B, slot_num]
    bias = jnp.take(table_b, fids_batch, axis=0)
    h = jax.nn.relu(emb @ W1.T + b1)
    h = jax.nn.relu(h @ W2.T + b2)
    nn_out = (h @ W3.T + b3).squeeze()
    bias_sum = jnp.mean(bias, axis=1)
    prediction = bias_sum + nn_out
    return prediction.squeeze()

if __name__ == "__main__":
    import jax
    _d = setup_inputs()
    print(jax.jit(kernel)(*tuple(_d.values())))

</pallas_src>

<mosaic_0001>
#map = affine_map<(d0, d1) -> (0, 0)>
#map1 = affine_map<(d0, d1) -> (0, 0, 0)>
module attributes {stable_mosaic.version = 14 : i64} {
  func.func @_sc_gather_body(%arg0: i32, %arg1: i32, %arg2: memref<16384x26xi32, #tpu.memory_space<hbm>>, %arg3: memref<1000000x8xf32, #tpu.memory_space<hbm>>, %arg4: memref<2048x128x8xf32, #tpu.memory_space<hbm>>, %arg5: memref<2048x128x8xf32, #tpu.memory_space<hbm>>, %arg6: memref<512x26xi32, #tpu.memory_space<vmem>>, %arg7: memref<64x128xi32, #tpu.memory_space<vmem>>, %arg8: memref<64x128xi32, #tpu.memory_space<vmem>>, %arg9: memref<64x128x8xf32, #tpu.memory_space<vmem>>, %arg10: memref<!tpu.dma_semaphore, #tpu.memory_space<semaphore_mem>>) attributes {dimension_semantics = [#tpu.dimension_semantics<core_parallel>, #tpu.dimension_semantics<subcore_parallel>], iteration_bounds = array<i64: 2, 16>, scalar_prefetch = 0 : i64, scratch_operands = 5 : i64, tpu.core_type = #tpu.core_type<sc_vector_subcore>, window_params = [{transform_indices = #map}, {transform_indices = #map}, {transform_indices = #map1}, {transform_indices = #map1}]} {
    %mul3A = arith.constant 2 : i32
    %mul3A_0 = arith.muli %arg1, %mul3A : i32
    %add3A = arith.addi %mul3A_0, %arg0 : i32
    %mul3A_1 = arith.constant 64 : i32
    %mul3A_2 = arith.muli %add3A, %mul3A_1 : i32
    %mul3A_3 = arith.constant 512 : i32
    %mul3A_4 = arith.muli %add3A, %mul3A_3 : i32
    "tpu.region"() ({
      %run_scoped3A = tpu.sem_alloc : memref<!tpu.dma_semaphore, #tpu.memory_space<semaphore_mem>>
      %dma_start3A = arith.constant 0 : i32
      %dma_start3A_34 = tpu.memref_slice %arg2[%mul3A_4, %dma_start3A] : memref<16384x26xi32, #tpu.memory_space<hbm>> -> memref<512x26xi32, #tpu.memory_space<hbm>>
      %dma_start3A_35 = arith.constant 0 : i32
      %dma_start3A_36 = tpu.memref_slice %arg2[%mul3A_4, %dma_start3A_35] : memref<16384x26xi32, #tpu.memory_space<hbm>> -> memref<512x26xi32, #tpu.memory_space<hbm>>
      tpu.enqueue_dma source(%dma_start3A_36 : memref<512x26xi32, #tpu.memory_space<hbm>>) target(%arg6 : memref<512x26xi32, #tpu.memory_space<vmem>>) target_semaphore(%run_scoped3A : memref<!tpu.dma_semaphore, #tpu.memory_space<semaphore_mem>>)
      %dma_wait3A = arith.constant 0 : i32
      %dma_wait3A_37 = tpu.memref_slice %arg2[%mul3A_4, %dma_wait3A] : memref<16384x26xi32, #tpu.memory_space<hbm>> -> memref<512x26xi32, #tpu.memory_space<hbm>>
      %dma_wait3A_38 = arith.constant 0 : i32
      %dma_wait3A_39 = tpu.memref_slice %arg2[%mul3A_4, %dma_wait3A_38] : memref<16384x26xi32, #tpu.memory_space<hbm>> -> memref<512x26xi32, #tpu.memory_space<hbm>>
      tpu.wait_dma2 semaphore(%run_scoped3A : memref<!tpu.dma_semaphore, #tpu.memory_space<semaphore_mem>>) src(%dma_wait3A_39 : memref<512x26xi32, #tpu.memory_space<hbm>>) dst(%arg6 : memref<512x26xi32, #tpu.memory_space<vmem>>)
      tpu.yield
    }) : () -> ()
    %scan3A = arith.constant 0 : i32
    %scan3A_5 = arith.constant 0 : i32
    %scan3A_6 = arith.constant 64 : i32
    %scan3A_7 = arith.addi %scan3A_5, %scan3A_6 : i32
    %scan3A_8 = arith.constant 1 : i32
    scf.for %scan3A_34 = %scan3A_5 to %scan3A_7 step %scan3A_8  : i32 {
      %mul3A_35 = arith.constant 8 : i32
      %mul3A_36 = arith.muli %mul3A_35, %scan3A_34 : i32
      %add3A_37 = arith.constant 0 : i32
      %add3A_38 = arith.addi %mul3A_36, %add3A_37 : i32
      %get3A = arith.index_cast %add3A_38 : i32 to index
      %get3A_39 = arith.constant 0 : index
      %get3A_40 = tpu.vector_load %arg6[%get3A, %get3A_39] {strides = array<i32>} : memref<512x26xi32, #tpu.memory_space<vmem>>, vector<1x16xi32>,
      %get3A_41 = vector.shape_cast %get3A_40 : vector<1x16xi32> to vector<16xi32>
      %swap3A = arith.index_cast %scan3A_34 : i32 to index
      %swap3A_42 = arith.constant 0 : index
      %swap3A_43 = tpu.vector_load %arg7[%swap3A, %swap3A_42] {strides = array<i32>} : memref<64x128xi32, #tpu.memory_space<vmem>>, vector<1x16xi32>,
      %swap3A_44 = vector.shape_cast %swap3A_43 : vector<1x16xi32> to vector<16xi32>
      %swap3A_45 = vector.shape_cast %get3A_41 : vector<16xi32> to vector<1x16xi32>
      tpu.vector_store %arg7[%swap3A, %swap3A_42], %swap3A_45 {strides = array<i32>} : memref<64x128xi32, #tpu.memory_space<vmem>>, vector<1x16xi32>,
      %get3A_46 = arith.index_cast %add3A_38 : i32 to index
      %get3A_47 = arith.constant 10 : index
      %get3A_48 = tpu.vector_load %arg6[%get3A_46, %get3A_47] {strides = array<i32>} : memref<512x26xi32, #tpu.memory_space<vmem>>, vector<1x16xi32>,
      %get3A_49 = vector.shape_cast %get3A_48 : vector<1x16xi32> to vector<16xi32>
      %swap3A_50 = arith.index_cast %scan3A_34 : i32 to index
      %swap3A_51 = arith.constant 0 : index
      %swap3A_52 = tpu.vector_load %arg8[%swap3A_50, %swap3A_51] {strides = array<i32>} : memref<64x128xi32, #tpu.memory_space<vmem>>, vector<1x16xi32>,
      %swap3A_53 = vector.shape_cast %swap3A_52 : vector<1x16xi32> to vector<16xi32>
      %swap3A_54 = vector.shape_cast %get3A_49 : vector<16xi32> to vector<1x16xi32>
      tpu.vector_store %arg8[%swap3A_50, %swap3A_51], %swap3A_54 {strides = array<i32>} : memref<64x128xi32, #tpu.memory_space<vmem>>, vector<1x16xi32>,
      %mul3A_55 = arith.constant 8 : i32
      %mul3A_56 = arith.muli %mul3A_55, %scan3A_34 : i32
      %add3A_57 = arith.constant 1 : i32
      %add3A_58 = arith.addi %mul3A_56, %add3A_57 : i32
      %get3A_59 = arith.index_cast %add3A_58 : i32 to index
      %get3A_60 = arith.constant 0 : index
      %get3A_61 = tpu.vector_load %arg6[%get3A_59, %get3A_60] {strides = array<i32>} : memref<512x26xi32, #tpu.memory_space<vmem>>, vector<1x16xi32>,
      %get3A_62 = vector.shape_cast %get3A_61 : vector<1x16xi32> to vector<16xi32>
      %swap3A_63 = arith.index_cast %scan3A_34 : i32 to index
      %swap3A_64 = arith.constant 16 : index
      %swap3A_65 = tpu.vector_load %arg7[%swap3A_63, %swap3A_64] {strides = array<i32>} : memref<64x128xi32, #tpu.memory_space<vmem>>, vector<1x16xi32>,
      %swap3A_66 = vector.shape_cast %swap3A_65 : vector<1x16xi32> to vector<16xi32>
      %swap3A_67 = vector.shape_cast %get3A_62 : vector<16xi32> to vector<1x16xi32>
      tpu.vector_store %arg7[%swap3A_63, %swap3A_64], %swap3A_67 {strides = array<i32>} : memref<64x128xi32, #tpu.memory_space<vmem>>, vector<1x16xi32>,
      %get3A_68 = arith.index_cast %add3A_58 : i32 to index
      %get3A_69 = arith.constant 10 : index
      %get3A_70 = tpu.vector_load %arg6[%get3A_68, %get3A_69] {strides = array<i32>} : memref<512x26xi32, #tpu.memory_space<vmem>>, vector<1x16xi32>,
      %get3A_71 = vector.shape_cast %get3A_70 : vector<1x16xi32> to vector<16xi32>
      %swap3A_72 = arith.index_cast %scan3A_34 : i32 to index
      %swap3A_73 = arith.constant 16 : index
      %swap3A_74 = tpu.vector_load %arg8[%swap3A_72, %swap3A_73] {strides = array<i32>} : memref<64x128xi32, #tpu.memory_space<vmem>>, vector<1x16xi32>,
      %swap3A_75 = vector.shape_cast %swap3A_74 : vector<1x16xi32> to vector<16xi32>
      %swap3A_76 = vector.shape_cast %get3A_71 : vector<16xi32> to vector<1x16xi32>
      tpu.vector_store %arg8[%swap3A_72, %swap3A_73], %swap3A_76 {strides = array<i32>} : memref<64x128xi32, #tpu.memory_space<vmem>>, vector<1x16xi32>,
      %mul3A_77 = arith.constant 8 : i32
      %mul3A_78 = arith.muli %mul3A_77, %scan3A_34 : i32
      %add3A_79 = arith.constant 2 : i32
      %add3A_80 = arith.addi %mul3A_78, %add3A_79 : i32
      %get3A_81 = arith.index_cast %add3A_80 : i32 to index
      %get3A_82 = arith.constant 0 : index
      %get3A_83 = tpu.vector_load %arg6[%get3A_81, %get3A_82] {strides = array<i32>} : memref<512x26xi32, #tpu.memory_space<vmem>>, vector<1x16xi32>,
      %get3A_84 = vector.shape_cast %get3A_83 : vector<1x16xi32> to vector<16xi32>
      %swap3A_85 = arith.index_cast %scan3A_34 : i32 to index
      %swap3A_86 = arith.constant 32 : index
      %swap3A_87 = tpu.vector_load %arg7[%swap3A_85, %swap3A_86] {strides = array<i32>} : memref<64x128xi32, #tpu.memory_space<vmem>>, vector<1x16xi32>,
      %swap3A_88 = vector.shape_cast %swap3A_87 : vector<1x16xi32> to vector<16xi32>
      %swap3A_89 = vector.shape_cast %get3A_84 : vector<16xi32> to vector<1x16xi32>
      tpu.vector_store %arg7[%swap3A_85, %swap3A_86], %swap3A_89 {strides = array<i32>} : memref<64x128xi32, #tpu.memory_space<vmem>>, vector<1x16xi32>,
      %get3A_90 = arith.index_cast %add3A_80 : i32 to index
      %get3A_91 = arith.constant 10 : index
      %get3A_92 = tpu.vector_load %arg6[%get3A_90, %get3A_91] {strides = array<i32>} : memref<512x26xi32, #tpu.memory_space<vmem>>, vector<1x16xi32>,
      %get3A_93 = vector.shape_cast %get3A_92 : vector<1x16xi32> to vector<16xi32>
      %swap3A_94 = arith.index_cast %scan3A_34 : i32 to index
      %swap3A_95 = arith.constant 32 : index
      %swap3A_96 = tpu.vector_load %arg8[%swap3A_94, %swap3A_95] {strides = array<i32>} : memref<64x128xi32, #tpu.memory_space<vmem>>, vector<1x16xi32>,
      %swap3A_97 = vector.shape_cast %swap3A_96 : vector<1x16xi32> to vector<16xi32>
      %swap3A_98 = vector.shape_cast %get3A_93 : vector<16xi32> to vector<1x16xi32>
      tpu.vector_store %arg8[%swap3A_94, %swap3A_95], %swap3A_98 {strides = array<i32>} : memref<64x128xi32, #tpu.memory_space<vmem>>, vector<1x16xi32>,
      %mul3A_99 = arith.constant 8 : i32
      %mul3A_100 = arith.muli %mul3A_99, %scan3A_34 : i32
      %add3A_101 = arith.constant 3 : i32
      %add3A_102 = arith.addi %mul3A_100, %add3A_101 : i32
      %get3A_103 = arith.index_cast %add3A_102 : i32 to index
      %get3A_104 = arith.constant 0 : index
      %get3A_105 = tpu.vector_load %arg6[%get3A_103, %get3A_104] {strides = array<i32>} : memref<512x26xi32, #tpu.memory_space<vmem>>, vector<1x16xi32>,
      %get3A_106 = vector.shape_cast %get3A_105 : vector<1x16xi32> to vector<16xi32>
      %swap3A_107 = arith.index_cast %scan3A_34 : i32 to index
      %swap3A_108 = arith.constant 48 : index
      %swap3A_109 = tpu.vector_load %arg7[%swap3A_107, %swap3A_108] {strides = array<i32>} : memref<64x128xi32, #tpu.memory_space<vmem>>, vector<1x16xi32>,
      %swap3A_110 = vector.shape_cast %swap3A_109 : vector<1x16xi32> to vector<16xi32>
      %swap3A_111 = vector.shape_cast %get3A_106 : vector<16xi32> to vector<1x16xi32>
      tpu.vector_store %arg7[%swap3A_107, %swap3A_108], %swap3A_111 {strides = array<i32>} : memref<64x128xi32, #tpu.memory_space<vmem>>, vector<1x16xi32>,
      %get3A_112 = arith.index_cast %add3A_102 : i32 to index
      %get3A_113 = arith.constant 10 : index
      %get3A_114 = tpu.vector_load %arg6[%get3A_112, %get3A_113] {strides = array<i32>} : memref<512x26xi32, #tpu.memory_space<vmem>>, vector<1x16xi32>,
      %get3A_115 = vector.shape_cast %get3A_114 : vector<1x16xi32> to vector<16xi32>
      %swap3A_116 = arith.index_cast %scan3A_34 : i32 to index
      %swap3A_117 = arith.constant 48 : index
      %swap3A_118 = tpu.vector_load %arg8[%swap3A_116, %swap3A_117] {strides = array<i32>} : memref<64x128xi32, #tpu.memory_space<vmem>>, vector<1x16xi32>,
      %swap3A_119 = vector.shape_cast %swap3A_118 : vector<1x16xi32> to vector<16xi32>
      %swap3A_120 = vector.shape_cast %get3A_115 : vector<16xi32> to vector<1x16xi32>
      tpu.vector_store %arg8[%swap3A_116, %swap3A_117], %swap3A_120 {strides = array<i32>} : memref<64x128xi32, #tpu.memory_space<vmem>>, vector<1x16xi32>,
      %mul3A_121 = arith.constant 8 : i32
      %mul3A_122 = arith.muli %mul3A_121, %scan3A_34 : i32
      %add3A_123 = arith.constant 4 : i32
      %add3A_124 = arith.addi %mul3A_122, %add3A_123 : i32
      %get3A_125 = arith.index_cast %add3A_124 : i32 to index
      %get3A_126 = arith.constant 0 : index
      %get3A_127 = tpu.vector_load %arg6[%get3A_125, %get3A_126] {strides = array<i32>} : memref<512x26xi32, #tpu.memory_space<vmem>>, vector<1x16xi32>,
      %get3A_128 = vector.shape_cast %get3A_127 : vector<1x16xi32> to vector<16xi32>
      %swap3A_129 = arith.index_cast %scan3A_34 : i32 to index
      %swap3A_130 = arith.constant 64 : index
      %swap3A_131 = tpu.vector_load %arg7[%swap3A_129, %swap3A_130] {strides = array<i32>} : memref<64x128xi32, #tpu.memory_space<vmem>>, vector<1x16xi32>,
      %swap3A_132 = vector.shape_cast %swap3A_131 : vector<1x16xi32> to vector<16xi32>
      %swap3A_133 = vector.shape_cast %get3A_128 : vector<16xi32> to vector<1x16xi32>
      tpu.vector_store %arg7[%swap3A_129, %swap3A_130], %swap3A_133 {strides = array<i32>} : memref<64x128xi32, #tpu.memory_space<vmem>>, vector<1x16xi32>,
      %get3A_134 = arith.index_cast %add3A_124 : i32 to index
      %get3A_135 = arith.constant 10 : index
      %get3A_136 = tpu.vector_load %arg6[%get3A_134, %get3A_135] {strides = array<i32>} : memref<512x26xi32, #tpu.memory_space<vmem>>, vector<1x16xi32>,
      %get3A_137 = vector.shape_cast %get3A_136 : vector<1x16xi32> to vector<16xi32>
      %swap3A_138 = arith.index_cast %scan3A_34 : i32 to index
      %swap3A_139 = arith.constant 64 : index
      %swap3A_140 = tpu.vector_load %arg8[%swap3A_138, %swap3A_139] {strides = array<i32>} : memref<64x128xi32, #tpu.memory_space<vmem>>, vector<1x16xi32>,
      %swap3A_141 = vector.shape_cast %swap3A_140 : vector<1x16xi32> to vector<16xi32>
      %swap3A_142 = vector.shape_cast %get3A_137 : vector<16xi32> to vector<1x16xi32>
      tpu.vector_store %arg8[%swap3A_138, %swap3A_139], %swap3A_142 {strides = array<i32>} : memref<64x128xi32, #tpu.memory_space<vmem>>, vector<1x16xi32>,
      %mul3A_143 = arith.constant 8 : i32
      %mul3A_144 = arith.muli %mul3A_143, %scan3A_34 : i32
      %add3A_145 = arith.constant 5 : i32
      %add3A_146 = arith.addi %mul3A_144, %add3A_145 : i32
      %get3A_147 = arith.index_cast %add3A_146 : i32 to index
      %get3A_148 = arith.constant 0 : index
      %get3A_149 = tpu.vector_load %arg6[%get3A_147, %get3A_148] {strides = array<i32>} : memref<512x26xi32, #tpu.memory_space<vmem>>, vector<1x16xi32>,
      %get3A_150 = vector.shape_cast %get3A_149 : vector<1x16xi32> to vector<16xi32>
      %swap3A_151 = arith.index_cast %scan3A_34 : i32 to index
      %swap3A_152 = arith.constant 80 : index
      %swap3A_153 = tpu.vector_load %arg7[%swap3A_151, %swap3A_152] {strides = array<i32>} : memref<64x128xi32, #tpu.memory_space<vmem>>, vector<1x16xi32>,
      %swap3A_154 = vector.shape_cast %swap3A_153 : vector<1x16xi32> to vector<16xi32>
      %swap3A_155 = vector.shape_cast %get3A_150 : vector<16xi32> to vector<1x16xi32>
      tpu.vector_store %arg7[%swap3A_151, %swap3A_152], %swap3A_155 {strides = array<i32>} : memref<64x128xi32, #tpu.memory_space<vmem>>, vector<1x16xi32>,
      %get3A_156 = arith.index_cast %add3A_146 : i32 to index
      %get3A_157 = arith.constant 10 : index
      %get3A_158 = tpu.vector_load %arg6[%get3A_156, %get3A_157] {strides = array<i32>} : memref<512x26xi32, #tpu.memory_space<vmem>>, vector<1x16xi32>,
      %get3A_159 = vector.shape_cast %get3A_158 : vector<1x16xi32> to vector<16xi32>
      %swap3A_160 = arith.index_cast %scan3A_34 : i32 to index
      %swap3A_161 = arith.constant 80 : index
      %swap3A_162 = tpu.vector_load %arg8[%swap3A_160, %swap3A_161] {strides = array<i32>} : memref<64x128xi32, #tpu.memory_space<vmem>>, vector<1x16xi32>,
      %swap3A_163 = vector.shape_cast %swap3A_162 : vector<1x16xi32> to vector<16xi32>
      %swap3A_164 = vector.shape_cast %get3A_159 : vector<16xi32> to vector<1x16xi32>
      tpu.vector_store %arg8[%swap3A_160, %swap3A_161], %swap3A_164 {strides = array<i32>} : memref<64x128xi32, #tpu.memory_space<vmem>>, vector<1x16xi32>,
      %mul3A_165 = arith.constant 8 : i32
      %mul3A_166 = arith.muli %mul3A_165, %scan3A_34 : i32
      %add3A_167 = arith.constant 6 : i32
      %add3A_168 = arith.addi %mul3A_166, %add3A_167 : i32
      %get3A_169 = arith.index_cast %add3A_168 : i32 to index
      %get3A_170 = arith.constant 0 : index
      %get3A_171 = tpu.vector_load %arg6[%get3A_169, %get3A_170] {strides = array<i32>} : memref<512x26xi32, #tpu.memory_space<vmem>>, vector<1x16xi32>,
      %get3A_172 = vector.shape_cast %get3A_171 : vector<1x16xi32> to vector<16xi32>
      %swap3A_173 = arith.index_cast %scan3A_34 : i32 to index
      %swap3A_174 = arith.constant 96 : index
      %swap3A_175 = tpu.vector_load %arg7[%swap3A_173, %swap3A_174] {strides = array<i32>} : memref<64x128xi32, #tpu.memory_space<vmem>>, vector<1x16xi32>,
      %swap3A_176 = vector.shape_cast %swap3A_175 : vector<1x16xi32> to vector<16xi32>
      %swap3A_177 = vector.shape_cast %get3A_172 : vector<16xi32> to vector<1x16xi32>
      tpu.vector_store %arg7[%swap3A_173, %swap3A_174], %swap3A_177 {strides = array<i32>} : memref<64x128xi32, #tpu.memory_space<vmem>>, vector<1x16xi32>,
      %get3A_178 = arith.index_cast %add3A_168 : i32 to index
      %get3A_179 = arith.constant 10 : index
      %get3A_180 = tpu.vector_load %arg6[%get3A_178, %get3A_179] {strides = array<i32>} : memref<512x26xi32, #tpu.memory_space<vmem>>, vector<1x16xi32>,
      %get3A_181 = vector.shape_cast %get3A_180 : vector<1x16xi32> to vector<16xi32>
      %swap3A_182 = arith.index_cast %scan3A_34 : i32 to index
      %swap3A_183 = arith.constant 96 : index
      %swap3A_184 = tpu.vector_load %arg8[%swap3A_182, %swap3A_183] {strides = array<i32>} : memref<64x128xi32, #tpu.memory_space<vmem>>, vector<1x16xi32>,
      %swap3A_185 = vector.shape_cast %swap3A_184 : vector<1x16xi32> to vector<16xi32>
      %swap3A_186 = vector.shape_cast %get3A_181 : vector<16xi32> to vector<1x16xi32>
      tpu.vector_store %arg8[%swap3A_182, %swap3A_183], %swap3A_186 {strides = array<i32>} : memref<64x128xi32, #tpu.memory_space<vmem>>, vector<1x16xi32>,
      %mul3A_187 = arith.constant 8 : i32
      %mul3A_188 = arith.muli %mul3A_187, %scan3A_34 : i32
      %add3A_189 = arith.constant 7 : i32
      %add3A_190 = arith.addi %mul3A_188, %add3A_189 : i32
      %get3A_191 = arith.index_cast %add3A_190 : i32 to index
      %get3A_192 = arith.constant 0 : index
      %get3A_193 = tpu.vector_load %arg6[%get3A_191, %get3A_192] {strides = array<i32>} : memref<512x26xi32, #tpu.memory_space<vmem>>, vector<1x16xi32>,
      %get3A_194 = vector.shape_cast %get3A_193 : vector<1x16xi32> to vector<16xi32>
      %swap3A_195 = arith.index_cast %scan3A_34 : i32 to index
      %swap3A_196 = arith.constant 112 : index
      %swap3A_197 = tpu.vector_load %arg7[%swap3A_195, %swap3A_196] {strides = array<i32>} : memref<64x128xi32, #tpu.memory_space<vmem>>, vector<1x16xi32>,
      %swap3A_198 = vector.shape_cast %swap3A_197 : vector<1x16xi32> to vector<16xi32>
      %swap3A_199 = vector.shape_cast %get3A_194 : vector<16xi32> to vector<1x16xi32>
      tpu.vector_store %arg7[%swap3A_195, %swap3A_196], %swap3A_199 {strides = array<i32>} : memref<64x128xi32, #tpu.memory_space<vmem>>, vector<1x16xi32>,
      %get3A_200 = arith.index_cast %add3A_190 : i32 to index
      %get3A_201 = arith.constant 10 : index
      %get3A_202 = tpu.vector_load %arg6[%get3A_200, %get3A_201] {strides = array<i32>} : memref<512x26xi32, #tpu.memory_space<vmem>>, vector<1x16xi32>,
      %get3A_203 = vector.shape_cast %get3A_202 : vector<1x16xi32> to vector<16xi32>
      %swap3A_204 = arith.index_cast %scan3A_34 : i32 to index
      %swap3A_205 = arith.constant 112 : index
      %swap3A_206 = tpu.vector_load %arg8[%swap3A_204, %swap3A_205] {strides = array<i32>} : memref<64x128xi32, #tpu.memory_space<vmem>>, vector<1x16xi32>,
      %swap3A_207 = vector.shape_cast %swap3A_206 : vector<1x16xi32> to vector<16xi32>
      %swap3A_208 = vector.shape_cast %get3A_203 : vector<16xi32> to vector<1x16xi32>
      tpu.vector_store %arg8[%swap3A_204, %swap3A_205], %swap3A_208 {strides = array<i32>} : memref<64x128xi32, #tpu.memory_space<vmem>>, vector<1x16xi32>,
    }
    %scan3A_9 = arith.constant 64 : i32
    %scan3A_10 = arith.constant 0 : i32
    %scan3A_11 = arith.constant 0 : i32
    %scan3A_12 = arith.constant 64 : i32
    %scan3A_13 = arith.addi %scan3A_11, %scan3A_12 : i32
    %scan3A_14 = arith.constant 1 : i32
    scf.for %scan3A_34 = %scan3A_11 to %scan3A_13 step %scan3A_14  : i32 {
      %dma_start3A = arith.constant 0 : i32
      %dma_start3A_35 = arith.constant 0 : i32
      %dma_start3A_36 = tpu.memref_slice %arg9[%scan3A_34, %dma_start3A, %dma_start3A_35] : memref<64x128x8xf32, #tpu.memory_space<vmem>> -> memref<1x128x8xf32, #tpu.memory_space<vmem>>
      %dma_start3A_37 = tpu.memref_squeeze %dma_start3A_36 : memref<1x128x8xf32, #tpu.memory_space<vmem>> -> memref<128x8xf32, #tpu.memory_space<vmem>>
      %dma_start3A_38 = arith.constant 0 : i32
      %dma_start3A_39 = tpu.memref_slice %arg7[%scan3A_34, %dma_start3A_38] : memref<64x128xi32, #tpu.memory_space<vmem>> -> memref<1x128xi32, #tpu.memory_space<vmem>>
      %dma_start3A_40 = tpu.memref_squeeze %dma_start3A_39 : memref<1x128xi32, #tpu.memory_space<vmem>> -> memref<128xi32, #tpu.memory_space<vmem>>
      %dma_start3A_41 = arith.constant 0 : i32
      %dma_start3A_42 = arith.constant 0 : i32
      %dma_start3A_43 = tpu.memref_slice %arg3[%dma_start3A_41, %dma_start3A_42] : memref<1000000x8xf32, #tpu.memory_space<hbm>> -> memref<1000000x8xf32, #tpu.memory_space<hbm>>
      tpu.enqueue_indirect_dma source(%dma_start3A_43 : memref<1000000x8xf32, #tpu.memory_space<hbm>>) target(%dma_start3A_37 : memref<128x8xf32, #tpu.memory_space<vmem>>) offsets(%dma_start3A_40 : memref<128xi32, #tpu.memory_space<vmem>>) semaphore(%arg10 : memref<!tpu.dma_semaphore, #tpu.memory_space<semaphore_mem>>)
      %ge3A = arith.constant 4 : i32
      %ge3A_44 = arith.cmpi sge, %scan3A_34, %ge3A : i32
      %convert_element_type3A = arith.extui %ge3A_44 : i1 to i32
      %cond3A = arith.constant 0 : i32
      %cond3A_45 = arith.cmpi ne, %convert_element_type3A, %cond3A : i32
      scf.if %cond3A_45 {
        %sub3A = arith.constant 4 : i32
        %sub3A_46 = arith.subi %scan3A_34, %sub3A : i32
        %dma_wait3A = arith.constant 0 : i32
        %dma_wait3A_47 = arith.constant 0 : i32
        %dma_wait3A_48 = tpu.memref_slice %arg9[%sub3A_46, %dma_wait3A, %dma_wait3A_47] : memref<64x128x8xf32, #tpu.memory_space<vmem>> -> memref<1x128x8xf32, #tpu.memory_space<vmem>>
        %dma_wait3A_49 = tpu.memref_squeeze %dma_wait3A_48 : memref<1x128x8xf32, #tpu.memory_space<vmem>> -> memref<128x8xf32, #tpu.memory_space<vmem>>
        %dma_wait3A_50 = arith.constant 0 : i32
        %dma_wait3A_51 = tpu.memref_slice %arg7[%sub3A_46, %dma_wait3A_50] : memref<64x128xi32, #tpu.memory_space<vmem>> -> memref<1x128xi32, #tpu.memory_space<vmem>>
        %dma_wait3A_52 = tpu.memref_squeeze %dma_wait3A_51 : memref<1x128xi32, #tpu.memory_space<vmem>> -> memref<128xi32, #tpu.memory_space<vmem>>
        %dma_wait3A_53 = arith.constant 0 : i32
        %dma_wait3A_54 = arith.constant 0 : i32
        %dma_wait3A_55 = tpu.memref_slice %arg3[%dma_wait3A_53, %dma_wait3A_54] : memref<1000000x8xf32, #tpu.memory_space<hbm>> -> memref<1000000x8xf32, #tpu.memory_space<hbm>>
        tpu.wait_indirect_dma semaphore(%arg10 : memref<!tpu.dma_semaphore, #tpu.memory_space<semaphore_mem>>) src(%dma_wait3A_55 : memref<1000000x8xf32, #tpu.memory_space<hbm>>) dst(%dma_wait3A_49 : memref<128x8xf32, #tpu.memory_space<vmem>>)
      } else {
      }
    }
    %scan3A_15 = arith.constant 64 : i32
    %scan3A_16 = arith.constant 0 : i32
    %scan3A_17 = arith.constant 60 : i32
    %scan3A_18 = arith.constant 4 : i32
    %scan3A_19 = arith.addi %scan3A_17, %scan3A_18 : i32
    %scan3A_20 = arith.constant 1 : i32
    scf.for %scan3A_34 = %scan3A_17 to %scan3A_19 step %scan3A_20  : i32 {
      %dma_wait3A = arith.constant 0 : i32
      %dma_wait3A_35 = arith.constant 0 : i32
      %dma_wait3A_36 = tpu.memref_slice %arg9[%scan3A_34, %dma_wait3A, %dma_wait3A_35] : memref<64x128x8xf32, #tpu.memory_space<vmem>> -> memref<1x128x8xf32, #tpu.memory_space<vmem>>
      %dma_wait3A_37 = tpu.memref_squeeze %dma_wait3A_36 : memref<1x128x8xf32, #tpu.memory_space<vmem>> -> memref<128x8xf32, #tpu.memory_space<vmem>>
      %dma_wait3A_38 = arith.constant 0 : i32
      %dma_wait3A_39 = tpu.memref_slice %arg7[%scan3A_34, %dma_wait3A_38] : memref<64x128xi32, #tpu.memory_space<vmem>> -> memref<1x128xi32, #tpu.memory_space<vmem>>
      %dma_wait3A_40 = tpu.memref_squeeze %dma_wait3A_39 : memref<1x128xi32, #tpu.memory_space<vmem>> -> memref<128xi32, #tpu.memory_space<vmem>>
      %dma_wait3A_41 = arith.constant 0 : i32
      %dma_wait3A_42 = arith.constant 0 : i32
      %dma_wait3A_43 = tpu.memref_slice %arg3[%dma_wait3A_41, %dma_wait3A_42] : memref<1000000x8xf32, #tpu.memory_space<hbm>> -> memref<1000000x8xf32, #tpu.memory_space<hbm>>
      tpu.wait_indirect_dma semaphore(%arg10 : memref<!tpu.dma_semaphore, #tpu.memory_space<semaphore_mem>>) src(%dma_wait3A_43 : memref<1000000x8xf32, #tpu.memory_space<hbm>>) dst(%dma_wait3A_37 : memref<128x8xf32, #tpu.memory_space<vmem>>)
    }
    %scan3A_21 = arith.constant 4 : i32
    "tpu.region"() ({
      %run_scoped3A = tpu.sem_alloc : memref<!tpu.dma_semaphore, #tpu.memory_space<semaphore_mem>>
      %dma_start3A = arith.constant 0 : i32
      %dma_start3A_34 = arith.constant 0 : i32
      %dma_start3A_35 = tpu.memref_slice %arg4[%mul3A_2, %dma_start3A, %dma_start3A_34] : memref<2048x128x8xf32, #tpu.memory_space<hbm>> -> memref<64x128x8xf32, #tpu.memory_space<hbm>>
      %dma_start3A_36 = arith.constant 0 : i32
      %dma_start3A_37 = arith.constant 0 : i32
      %dma_start3A_38 = tpu.memref_slice %arg4[%mul3A_2, %dma_start3A_36, %dma_start3A_37] : memref<2048x128x8xf32, #tpu.memory_space<hbm>> -> memref<64x128x8xf32, #tpu.memory_space<hbm>>
      tpu.enqueue_dma source(%arg9 : memref<64x128x8xf32, #tpu.memory_space<vmem>>) target(%dma_start3A_38 : memref<64x128x8xf32, #tpu.memory_space<hbm>>) target_semaphore(%run_scoped3A : memref<!tpu.dma_semaphore, #tpu.memory_space<semaphore_mem>>)
      %dma_wait3A = arith.constant 0 : i32
      %dma_wait3A_39 = arith.constant 0 : i32
      %dma_wait3A_40 = tpu.memref_slice %arg4[%mul3A_2, %dma_wait3A, %dma_wait3A_39] : memref<2048x128x8xf32, #tpu.memory_space<hbm>> -> memref<64x128x8xf32, #tpu.memory_space<hbm>>
      %dma_wait3A_41 = arith.constant 0 : i32
      %dma_wait3A_42 = arith.constant 0 : i32
      %dma_wait3A_43 = tpu.memref_slice %arg4[%mul3A_2, %dma_wait3A_41, %dma_wait3A_42] : memref<2048x128x8xf32, #tpu.memory_space<hbm>> -> memref<64x128x8xf32, #tpu.memory_space<hbm>>
      tpu.wait_dma2 semaphore(%run_scoped3A : memref<!tpu.dma_semaphore, #tpu.memory_space<semaphore_mem>>) src(%arg9 : memref<64x128x8xf32, #tpu.memory_space<vmem>>) dst(%dma_wait3A_43 : memref<64x128x8xf32, #tpu.memory_space<hbm>>)
      tpu.yield
    }) : () -> ()
    %scan3A_22 = arith.constant 0 : i32
    %scan3A_23 = arith.constant 0 : i32
    %scan3A_24 = arith.constant 64 : i32
    %scan3A_25 = arith.addi %scan3A_23, %scan3A_24 : i32
    %scan3A_26 = arith.constant 1 : i32
    scf.for %scan3A_34 = %scan3A_23 to %scan3A_25 step %scan3A_26  : i32 {
      %dma_start3A = arith.constant 0 : i32
      %dma_start3A_35 = arith.constant 0 : i32
      %dma_start3A_36 = tpu.memref_slice %arg9[%scan3A_34, %dma_start3A, %dma_start3A_35] : memref<64x128x8xf32, #tpu.memory_space<vmem>> -> memref<1x128x8xf32, #tpu.memory_space<vmem>>
      %dma_start3A_37 = tpu.memref_squeeze %dma_start3A_36 : memref<1x128x8xf32, #tpu.memory_space<vmem>> -> memref<128x8xf32, #tpu.memory_space<vmem>>
      %dma_start3A_38 = arith.constant 0 : i32
      %dma_start3A_39 = tpu.memref_slice %arg8[%scan3A_34, %dma_start3A_38] : memref<64x128xi32, #tpu.memory_space<vmem>> -> memref<1x128xi32, #tpu.memory_space<vmem>>
      %dma_start3A_40 = tpu.memref_squeeze %dma_start3A_39 : memref<1x128xi32, #tpu.memory_space<vmem>> -> memref<128xi32, #tpu.memory_space<vmem>>
      %dma_start3A_41 = arith.constant 0 : i32
      %dma_start3A_42 = arith.constant 0 : i32
      %dma_start3A_43 = tpu.memref_slice %arg3[%dma_start3A_41, %dma_start3A_42] : memref<1000000x8xf32, #tpu.memory_space<hbm>> -> memref<1000000x8xf32, #tpu.memory_space<hbm>>
      tpu.enqueue_indirect_dma source(%dma_start3A_43 : memref<1000000x8xf32, #tpu.memory_space<hbm>>) target(%dma_start3A_37 : memref<128x8xf32, #tpu.memory_space<vmem>>) offsets(%dma_start3A_40 : memref<128xi32, #tpu.memory_space<vmem>>) semaphore(%arg10 : memref<!tpu.dma_semaphore, #tpu.memory_space<semaphore_mem>>)
      %ge3A = arith.constant 4 : i32
      %ge3A_44 = arith.cmpi sge, %scan3A_34, %ge3A : i32
      %convert_element_type3A = arith.extui %ge3A_44 : i1 to i32
      %cond3A = arith.constant 0 : i32
      %cond3A_45 = arith.cmpi ne, %convert_element_type3A, %cond3A : i32
      scf.if %cond3A_45 {
        %sub3A = arith.constant 4 : i32
        %sub3A_46 = arith.subi %scan3A_34, %sub3A : i32
        %dma_wait3A = arith.constant 0 : i32
        %dma_wait3A_47 = arith.constant 0 : i32
        %dma_wait3A_48 = tpu.memref_slice %arg9[%sub3A_46, %dma_wait3A, %dma_wait3A_47] : memref<64x128x8xf32, #tpu.memory_space<vmem>> -> memref<1x128x8xf32, #tpu.memory_space<vmem>>
        %dma_wait3A_49 = tpu.memref_squeeze %dma_wait3A_48 : memref<1x128x8xf32, #tpu.memory_space<vmem>> -> memref<128x8xf32, #tpu.memory_space<vmem>>
        %dma_wait3A_50 = arith.constant 0 : i32
        %dma_wait3A_51 = tpu.memref_slice %arg8[%sub3A_46, %dma_wait3A_50] : memref<64x128xi32, #tpu.memory_space<vmem>> -> memref<1x128xi32, #tpu.memory_space<vmem>>
        %dma_wait3A_52 = tpu.memref_squeeze %dma_wait3A_51 : memref<1x128xi32, #tpu.memory_space<vmem>> -> memref<128xi32, #tpu.memory_space<vmem>>
        %dma_wait3A_53 = arith.constant 0 : i32
        %dma_wait3A_54 = arith.constant 0 : i32
        %dma_wait3A_55 = tpu.memref_slice %arg3[%dma_wait3A_53, %dma_wait3A_54] : memref<1000000x8xf32, #tpu.memory_space<hbm>> -> memref<1000000x8xf32, #tpu.memory_space<hbm>>
        tpu.wait_indirect_dma semaphore(%arg10 : memref<!tpu.dma_semaphore, #tpu.memory_space<semaphore_mem>>) src(%dma_wait3A_55 : memref<1000000x8xf32, #tpu.memory_space<hbm>>) dst(%dma_wait3A_49 : memref<128x8xf32, #tpu.memory_space<vmem>>)
      } else {
      }
    }
    %scan3A_27 = arith.constant 64 : i32
    %scan3A_28 = arith.constant 0 : i32
    %scan3A_29 = arith.constant 60 : i32
    %scan3A_30 = arith.constant 4 : i32
    %scan3A_31 = arith.addi %scan3A_29, %scan3A_30 : i32
    %scan3A_32 = arith.constant 1 : i32
    scf.for %scan3A_34 = %scan3A_29 to %scan3A_31 step %scan3A_32  : i32 {
      %dma_wait3A = arith.constant 0 : i32
      %dma_wait3A_35 = arith.constant 0 : i32
      %dma_wait3A_36 = tpu.memref_slice %arg9[%scan3A_34, %dma_wait3A, %dma_wait3A_35] : memref<64x128x8xf32, #tpu.memory_space<vmem>> -> memref<1x128x8xf32, #tpu.memory_space<vmem>>
      %dma_wait3A_37 = tpu.memref_squeeze %dma_wait3A_36 : memref<1x128x8xf32, #tpu.memory_space<vmem>> -> memref<128x8xf32, #tpu.memory_space<vmem>>
      %dma_wait3A_38 = arith.constant 0 : i32
      %dma_wait3A_39 = tpu.memref_slice %arg8[%scan3A_34, %dma_wait3A_38] : memref<64x128xi32, #tpu.memory_space<vmem>> -> memref<1x128xi32, #tpu.memory_space<vmem>>
      %dma_wait3A_40 = tpu.memref_squeeze %dma_wait3A_39 : memref<1x128xi32, #tpu.memory_space<vmem>> -> memref<128xi32, #tpu.memory_space<vmem>>
      %dma_wait3A_41 = arith.constant 0 : i32
      %dma_wait3A_42 = arith.constant 0 : i32
      %dma_wait3A_43 = tpu.memref_slice %arg3[%dma_wait3A_41, %dma_wait3A_42] : memref<1000000x8xf32, #tpu.memory_space<hbm>> -> memref<1000000x8xf32, #tpu.memory_space<hbm>>
      tpu.wait_indirect_dma semaphore(%arg10 : memref<!tpu.dma_semaphore, #tpu.memory_space<semaphore_mem>>) src(%dma_wait3A_43 : memref<1000000x8xf32, #tpu.memory_space<hbm>>) dst(%dma_wait3A_37 : memref<128x8xf32, #tpu.memory_space<vmem>>)
    }
    %scan3A_33 = arith.constant 4 : i32
    "tpu.region"() ({
      %run_scoped3A = tpu.sem_alloc : memref<!tpu.dma_semaphore, #tpu.memory_space<semaphore_mem>>
      %dma_start3A = arith.constant 0 : i32
      %dma_start3A_34 = arith.constant 0 : i32
      %dma_start3A_35 = tpu.memref_slice %arg5[%mul3A_2, %dma_start3A, %dma_start3A_34] : memref<2048x128x8xf32, #tpu.memory_space<hbm>> -> memref<64x128x8xf32, #tpu.memory_space<hbm>>
      %dma_start3A_36 = arith.constant 0 : i32
      %dma_start3A_37 = arith.constant 0 : i32
      %dma_start3A_38 = tpu.memref_slice %arg5[%mul3A_2, %dma_start3A_36, %dma_start3A_37] : memref<2048x128x8xf32, #tpu.memory_space<hbm>> -> memref<64x128x8xf32, #tpu.memory_space<hbm>>
      tpu.enqueue_dma source(%arg9 : memref<64x128x8xf32, #tpu.memory_space<vmem>>) target(%dma_start3A_38 : memref<64x128x8xf32, #tpu.memory_space<hbm>>) target_semaphore(%run_scoped3A : memref<!tpu.dma_semaphore, #tpu.memory_space<semaphore_mem>>)
      %dma_wait3A = arith.constant 0 : i32
      %dma_wait3A_39 = arith.constant 0 : i32
      %dma_wait3A_40 = tpu.memref_slice %arg5[%mul3A_2, %dma_wait3A, %dma_wait3A_39] : memref<2048x128x8xf32, #tpu.memory_space<hbm>> -> memref<64x128x8xf32, #tpu.memory_space<hbm>>
      %dma_wait3A_41 = arith.constant 0 : i32
      %dma_wait3A_42 = arith.constant 0 : i32
      %dma_wait3A_43 = tpu.memref_slice %arg5[%mul3A_2, %dma_wait3A_41, %dma_wait3A_42] : memref<2048x128x8xf32, #tpu.memory_space<hbm>> -> memref<64x128x8xf32, #tpu.memory_space<hbm>>
      tpu.wait_dma2 semaphore(%run_scoped3A : memref<!tpu.dma_semaphore, #tpu.memory_space<semaphore_mem>>) src(%arg9 : memref<64x128x8xf32, #tpu.memory_space<vmem>>) dst(%dma_wait3A_43 : memref<64x128x8xf32, #tpu.memory_space<hbm>>)
      tpu.yield
    }) : () -> ()
    return
  }
}

module attributes {stable_mosaic.version = 14 : i64} {
  func.func @_mlp_body(%arg0: i32, %arg1: memref<2048x128xf32, #tpu.memory_space<vmem>>, %arg2: memref<2048x128xf32, #tpu.memory_space<vmem>>, %arg3: memref<128x17xf32, #tpu.memory_space<vmem>>, %arg4: memref<128x17xf32, #tpu.memory_space<vmem>>, %arg5: memref<1x16xf32, #tpu.memory_space<vmem>>, %arg6: memref<16x8xf32, #tpu.memory_space<vmem>>, %arg7: memref<1x8xf32, #tpu.memory_space<vmem>>, %arg8: memref<8x1xf32, #tpu.memory_space<vmem>>, %arg9: memref<1x1xf32, #tpu.memory_space<vmem>>, %arg10: memref<2048xf32, #tpu.memory_space<vmem>>) attributes {dimension_semantics = [#tpu.dimension_semantics<arbitrary>], iteration_bounds = array<i64: 8>, scalar_prefetch = 0 : i64, scratch_operands = 0 : i64, tpu.core_type = #tpu.core_type<tc>, window_params = [{transform_indices = @transform_0, window_bounds = array<i64: 2048, 128>}, {transform_indices = @transform_1, window_bounds = array<i64: 2048, 128>}, {pipeline_mode = #tpu.pipeline_mode<synchronous>, transform_indices = @transform_2, window_bounds = array<i64: 128, 17>}, {pipeline_mode = #tpu.pipeline_mode<synchronous>, transform_indices = @transform_3, window_bounds = array<i64: 128, 17>}, {pipeline_mode = #tpu.pipeline_mode<synchronous>, transform_indices = @transform_4, window_bounds = array<i64: 1, 16>}, {pipeline_mode = #tpu.pipeline_mode<synchronous>, transform_indices = @transform_5, window_bounds = array<i64: 16, 8>}, {pipeline_mode = #tpu.pipeline_mode<synchronous>, transform_indices = @transform_6, window_bounds = array<i64: 1, 8>}, {pipeline_mode = #tpu.pipeline_mode<synchronous>, transform_indices = @transform_7, window_bounds = array<i64: 8, 1>}, {pipeline_mode = #tpu.pipeline_mode<synchronous>, transform_indices = @transform_8, window_bounds = array<i64: 1, 1>}, {transform_indices = @transform_9, window_bounds = array<i64: 2048>}]} {
    %get3A = arith.constant 0 : index
    %get3A_0 = arith.constant 0 : index
    %get3A_1 = vector.load %arg1[%get3A, %get3A_0] : memref<2048x128xf32, #tpu.memory_space<vmem>>, vector<2048x128xf32>
    %get3A_2 = arith.constant 0 : index
    %get3A_3 = arith.constant 0 : index
    %get3A_4 = vector.load %arg3[%get3A_2, %get3A_3] : memref<128x17xf32, #tpu.memory_space<vmem>>, vector<128x17xf32>
    %dot_general3A = arith.constant dense<0.000000e+00> : vector<2048x17xf32>
    %dot_general3A_5 = tpu.matmul %get3A_1, %get3A_4, %dot_general3A {dimension_numbers = #tpu.dot_dimension_numbers<[1], [0], [0], [1], [0, 0, 1, 1], [], []>, transpose_lhs_hint = false} : vector<2048x128xf32>, vector<128x17xf32>, vector<2048x17xf32> -> vector<2048x17xf32>
    %get3A_6 = arith.constant 0 : index
    %get3A_7 = arith.constant 0 : index
    %get3A_8 = vector.load %arg2[%get3A_6, %get3A_7] : memref<2048x128xf32, #tpu.memory_space<vmem>>, vector<2048x128xf32>
    %get3A_9 = arith.constant 0 : index
    %get3A_10 = arith.constant 0 : index
    %get3A_11 = vector.load %arg4[%get3A_9, %get3A_10] : memref<128x17xf32, #tpu.memory_space<vmem>>, vector<128x17xf32>
    %dot_general3A_12 = arith.constant dense<0.000000e+00> : vector<2048x17xf32>
    %dot_general3A_13 = tpu.matmul %get3A_8, %get3A_11, %dot_general3A_12 {dimension_numbers = #tpu.dot_dimension_numbers<[1], [0], [0], [1], [0, 0, 1, 1], [], []>, transpose_lhs_hint = false} : vector<2048x128xf32>, vector<128x17xf32>, vector<2048x17xf32> -> vector<2048x17xf32>
    %add3A = arith.addf %dot_general3A_5, %dot_general3A_13 : vector<2048x17xf32>
    %slice3A = vector.extract_strided_slice %add3A {offsets = [0, 0], sizes = [2048, 16], strides = [1, 1]} : vector<2048x17xf32> to vector<2048x16xf32>
    %get3A_14 = arith.constant 0 : index
    %get3A_15 = arith.constant 0 : index
    %get3A_16 = vector.load %arg5[%get3A_14, %get3A_15] : memref<1x16xf32, #tpu.memory_space<vmem>>, vector<1x16xf32>
    %add3A_17 = vector.broadcast %get3A_16 : vector<1x16xf32> to vector<2048x16xf32>
    %add3A_18 = arith.addf %slice3A, %add3A_17 : vector<2048x16xf32>
    %max3A = arith.constant 0.000000e+00 : f32
    %max3A_19 = vector.broadcast %max3A : f32 to vector<2048x16xf32>
    %max3A_20 = arith.maximumf %add3A_18, %max3A_19 : vector<2048x16xf32>
    %slice3A_21 = vector.extract_strided_slice %add3A {offsets = [0, 16], sizes = [2048, 1], strides = [1, 1]} : vector<2048x17xf32> to vector<2048x1xf32>
    %squeeze3A = vector.shape_cast %slice3A_21 : vector<2048x1xf32> to vector<2048xf32>
    %get3A_22 = arith.constant 0 : index
    %get3A_23 = arith.constant 0 : index
    %get3A_24 = vector.load %arg6[%get3A_22, %get3A_23] : memref<16x8xf32, #tpu.memory_space<vmem>>, vector<16x8xf32>
    %dot_general3A_25 = arith.constant dense<0.000000e+00> : vector<2048x8xf32>
    %dot_general3A_26 = tpu.matmul %max3A_20, %get3A_24, %dot_general3A_25 {dimension_numbers = #tpu.dot_dimension_numbers<[1], [0], [0], [1], [0, 0, 1, 1], [], []>, transpose_lhs_hint = false} : vector<2048x16xf32>, vector<16x8xf32>, vector<2048x8xf32> -> vector<2048x8xf32>
    %get3A_27 = arith.constant 0 : index
    %get3A_28 = arith.constant 0 : index
    %get3A_29 = vector.load %arg7[%get3A_27, %get3A_28] : memref<1x8xf32, #tpu.memory_space<vmem>>, vector<1x8xf32>
    %add3A_30 = vector.broadcast %get3A_29 : vector<1x8xf32> to vector<2048x8xf32>
    %add3A_31 = arith.addf %dot_general3A_26, %add3A_30 : vector<2048x8xf32>
    %max3A_32 = arith.constant 0.000000e+00 : f32
    %max3A_33 = vector.broadcast %max3A_32 : f32 to vector<2048x8xf32>
    %max3A_34 = arith.maximumf %add3A_31, %max3A_33 : vector<2048x8xf32>
    %get3A_35 = arith.constant 0 : index
    %get3A_36 = arith.constant 0 : index
    %get3A_37 = vector.load %arg8[%get3A_35, %get3A_36] : memref<8x1xf32, #tpu.memory_space<vmem>>, vector<8x1xf32>
    %dot_general3A_38 = arith.constant dense<0.000000e+00> : vector<2048x1xf32>
    %dot_general3A_39 = tpu.matmul %max3A_34, %get3A_37, %dot_general3A_38 {dimension_numbers = #tpu.dot_dimension_numbers<[1], [0], [0], [1], [0, 0, 1, 1], [], []>, transpose_lhs_hint = false} : vector<2048x8xf32>, vector<8x1xf32>, vector<2048x1xf32> -> vector<2048x1xf32>
    %squeeze3A_40 = vector.shape_cast %dot_general3A_39 : vector<2048x1xf32> to vector<2048xf32>
    %add3A_41 = arith.addf %squeeze3A, %squeeze3A_40 : vector<2048xf32>
    %get3A_42 = arith.constant 0 : index
    %get3A_43 = arith.constant 0 : index
    %get3A_44 = vector.load %arg9[%get3A_42, %get3A_43] : memref<1x1xf32, #tpu.memory_space<vmem>>, vector<1x1xf32>
    %get3A_45 = vector.extract %get3A_44[0, 0] : f32 from vector<1x1xf32>
    %add3A_46 = vector.broadcast %get3A_45 : f32 to vector<2048xf32>
    %add3A_47 = arith.addf %add3A_41, %add3A_46 : vector<2048xf32>
    %swap3A = arith.constant 0 : index
    %swap3A_48 = vector.load %arg10[%swap3A] : memref<2048xf32, #tpu.memory_space<vmem>>, vector<2048xf32>
    tpu.vector_store %arg10[%swap3A], %add3A_47 {strides = array<i32>} : memref<2048xf32, #tpu.memory_space<vmem>>, vector<2048xf32>,
    return
  }
  func.func @transform_0(%arg0: i32) -> (i32, i32) {
    %c0_i32 = arith.constant 0 : i32
    %c0_i32_0 = arith.constant 0 : i32
    return %arg0, %c0_i32 : i32, i32
  }
  func.func @transform_1(%arg0: i32) -> (i32, i32) {
    %c0_i32 = arith.constant 0 : i32
    %c0_i32_0 = arith.constant 0 : i32
    return %arg0, %c0_i32 : i32, i32
  }
  func.func @transform_2(%arg0: i32) -> (i32, i32) {
    %c0_i32 = arith.constant 0 : i32
    %c0_i32_0 = arith.constant 0 : i32
    %c0_i32_1 = arith.constant 0 : i32
    return %c0_i32, %c0_i32_0 : i32, i32
  }
  func.func @transform_3(%arg0: i32) -> (i32, i32) {
    %c0_i32 = arith.constant 0 : i32
    %c0_i32_0 = arith.constant 0 : i32
    %c0_i32_1 = arith.constant 0 : i32
    return %c0_i32, %c0_i32_0 : i32, i32
  }
  func.func @transform_4(%arg0: i32) -> (i32, i32) {
    %c0_i32 = arith.constant 0 : i32
    %c0_i32_0 = arith.constant 0 : i32
    %c0_i32_1 = arith.constant 0 : i32
    return %c0_i32, %c0_i32_0 : i32, i32
  }
  func.func @transform_5(%arg0: i32) -> (i32, i32) {
    %c0_i32 = arith.constant 0 : i32
    %c0_i32_0 = arith.constant 0 : i32
    %c0_i32_1 = arith.constant 0 : i32
    return %c0_i32, %c0_i32_0 : i32, i32
  }
  func.func @transform_6(%arg0: i32) -> (i32, i32) {
    %c0_i32 = arith.constant 0 : i32
    %c0_i32_0 = arith.constant 0 : i32
    %c0_i32_1 = arith.constant 0 : i32
    return %c0_i32, %c0_i32_0 : i32, i32
  }
  func.func @transform_7(%arg0: i32) -> (i32, i32) {
    %c0_i32 = arith.constant 0 : i32
    %c0_i32_0 = arith.constant 0 : i32
    %c0_i32_1 = arith.constant 0 : i32
    return %c0_i32, %c0_i32_0 : i32, i32
  }
  func.func @transform_8(%arg0: i32) -> (i32, i32) {
    %c0_i32 = arith.constant 0 : i32
    %c0_i32_0 = arith.constant 0 : i32
    %c0_i32_1 = arith.constant 0 : i32
    return %c0_i32, %c0_i32_0 : i32, i32
  }
  func.func @transform_9(%arg0: i32) -> i32 {
    %c0_i32 = arith.constant 0 : i32
    return %arg0 : i32
  }
}

</mosaic_0001>

<sc_bundles>
// kernel: kernel.4.cloned.1.call-start
scs
__scs_entry_jumppad:
0x0: {  	(pc) =	sbr.rel $0x88, $3  }
0x1: {  	(tag) =	ssettag $0x0;
	lr =	simm.s32 $0x1  }
0x2: {  	[smem:$0x3F98] =	sst lr;
	_ =	strace $0xD0000000  }
0x3: {  	_ = 	snop  }
0x4: {  	_ = 	snop  }
0x5: {  	_ = 	snop  }
0x6: {  	_ = 	snop  }
0x7: {  	_ = 	snop  }
__scs_overlays_trampoline_lowered:
0x8: {  	[smem:$0x3FA7] =	sst s0  }
0x9: {  	[smem:$0x3FA8] =	sst s1  }
0xa: {  	[smem:$0x3FA9] =	sst s2  }
0xb: {  	[smem:$0x3FAA] =	sst s3  }
0xc: {  	[smem:$0x3FAB] =	sst s4  }
0xd: {  	[smem:$0x3FAC] =	sst s5  }
0xe: {  	[smem:$0x3FAD] =	sst s6  }
0xf: {  	[smem:$0x3FAE] =	sst s7  }
0x10: {  	[smem:$0x3FAF] =	sst s8  }
0x11: {  	[smem:$0x3FB0] =	sst s9;
	s0 =	simm.s32 @!p0 $0x0  }
0x12: {  	s1 =	sld [smem:$0x3F96];
	s0 =	simm.s32 @p0 $0x1  }
0x13: {  	[smem:$0x3FB1] =	sst s0;
	s0 =	simm.s32 @!p1 $0x0  }
0x14: {  	s2 =	sld [smem:$0x3F95];
	s0 =	simm.s32 @p1 $0x1  }
0x15: {  	[smem:$0x3FB2] =	sst s0;
	s0 =	simm.s32 @!p2 $0x0  }
0x16: {  	s3 =	sld [smem:$0x3FDB];
	s0 =	simm.s32 @p2 $0x1  }
0x17: {  	s4 =	simm.s32 $0x1BF5;
	[smem:$0x3FB4] =	sst s0  }
0x18: {  	s0 =	sld [smem:$0x3F97];
	_ =	swait.ge [sflag:s4], $0x0  }
0x19: {  	s7 =	sld [smem:$0x3F98]  }
0x1a: {  	s8 =	sadd.s32 $0xFFFFE003, lr  }
0x1b: {  	s9 =	sadd.s32 $0xFFFFFEF7, lr;
	s5 =	simm.s32 $0xFFFFFFFF;
	p2 =	slt.u32 s8, $0xFFFFF086  }
0x1c: {  	p1 =	slt.u32 s9, $0xF7A;
	s5 =	simm.s32 @!p2 $0x0  }
0x1d: {  	s5 =	simm.s32 @p1 $0x1;
	p0 =	seq.s32 s7, s2  }
0x1e: {  	s7 =	smul.u32 @!p0 $0xF7A, s2;
	p2 =	seq.s32 @!p0 s5, $0x0  }
0x1f: {  	s9 =	smul.u32 $0xF7A, s1;
	s8 =	simm.s32 @!p0 $0x1BF5;
	p2 =	por !p2, p0  }
0x20: {  	[sflag:s8] =	ssyncset.s32 @!p0 $0xFFFFF086;
	s6 =	sadd.s32 @!p0 s3, s7;
	s7 =	simm.s32 @!p0 $0x108  }
0x21: {  	s3 =	sadd.s32 s3, s9;
	s6 =	sadd.s32 @!p0 $0x88, s6;
	s7 =	simm.s32 @p2 $0x1082  }
0x22: {  	[simem:s7], [sflag:s8] =	dma.local @!p0 [hbm:s6], $0xF7A  }
0x23: {  	s9 =	sor.u32 $0xD0000000, s2;
	s6 =	simm.s32 $0x108;
	_ =	swait.ge @!p0 [sflag:s8], $0x0  }
0x24: {  	s3 =	sadd.s32 $0x88, s3;
	s6 =	simm.s32 @!p1 $0x1082;
	[sflag:s4] =	ssyncset.s32 $0xFFFFF086  }
0x25: {  	[simem:s6], [sflag:s4] =	dma.local [hbm:s3], $0xF7A  }
0x26: {  	[smem:$0x3F98] =	sst s1;
	(tag) =	ssettag s2;
	_ =	strace s9  }
0x27: {  	s1 =	sld [smem:$0x3FA8]  }
0x28: {  	s2 =	sld [smem:$0x3FA9]  }
0x29: {  	s4 =	sld [smem:$0x3FAB]  }
0x2a: {  	p0 =	seq.s32 s5, $0x0;
	s5 =	sld [smem:$0x3FAC]  }
0x2b: {  	s6 =	sld [smem:$0x3FAD]  }
0x2c: {  	s7 =	sld [smem:$0x3FAE]  }
0x2d: {  	s3 =	simm.s32 $0x108;
	s8 =	sld [smem:$0x3FAF]  }
0x2e: {  	s3 =	simm.s32 @!p0 $0x1082;
	s9 =	sld [smem:$0x3FB0]  }
0x2f: {  	lr =	sadd.s32 s0, s3;
	s0 =	sld [smem:$0x3FA7]  }
0x30: {  	s3 =	sld [smem:$0x3FAA]  }
0x31: {  	[smem:$0x3FB3] =	sst s10  }
0x32: {  	s10 =	sld [smem:$0x3FB1];
	_ =	sdelay $0x3  }
0x33: {  	p0 =	seq.s32 s10, $0x1;
	s10 =	sld [smem:$0x3FB3];
	_ =	sdelay $0x3  }
0x34: {  	[smem:$0x3FB3] =	sst s10  }
0x35: {  	s10 =	sld [smem:$0x3FB2];
	_ =	sdelay $0x3  }
0x36: {  	p1 =	seq.s32 s10, $0x1;
	s10 =	sld [smem:$0x3FB3];
	_ =	sdelay $0x3  }
0x37: {  	[smem:$0x3FB3] =	sst s10  }
0x38: {  	s10 =	sld [smem:$0x3FB4]  }
0x39: {  	_ = 	snop;
	(pc) =	sbr.ind lr, $3  }
0x3a: {  	_ = 	snop  }
0x3b: {  	_ = 	snop  }
0x3c: {  	p2 =	seq.s32 s10, $0x1;
	s10 =	sld [smem:$0x3FB3]  }
0x3d: {  	_ =	shalt  }
0x3e: {  	_ =	shalt  }
0x3f: {  	_ =	shalt  }
0x40: {  	_ =	shalt  }
0x41: {  	_ =	shalt  }
0x42: {  	_ =	shalt  }
0x43: {  	_ =	shalt  }
0x44: {  	_ =	shalt  }
0x45: {  	_ =	shalt  }
0x46: {  	_ =	shalt  }
0x47: {  	_ =	shalt  }
0x48: {  	_ =	shalt  }
0x49: {  	_ =	shalt  }
0x4a: {  	_ =	shalt  }
0x4b: {  	_ =	shalt  }
0x4c: {  	_ =	shalt  }
0x4d: {  	_ =	shalt  }
0x4e: {  	_ =	shalt  }
0x4f: {  	_ =	shalt  }
0x50: {  	_ =	shalt  }
0x51: {  	_ =	shalt  }
0x52: {  	_ =	shalt  }
0x53: {  	_ =	shalt  }
0x54: {  	_ =	shalt  }
0x55: {  	_ =	shalt  }
0x56: {  	_ =	shalt  }
0x57: {  	_ =	shalt  }
0x58: {  	_ =	shalt  }
0x59: {  	_ =	shalt  }
0x5a: {  	_ =	shalt  }
0x5b: {  	_ =	shalt  }
0x5c: {  	_ =	shalt  }
0x5d: {  	_ =	shalt  }
0x5e: {  	_ =	shalt  }
0x5f: {  	_ =	shalt  }
0x60: {  	_ =	shalt  }
0x61: {  	_ =	shalt  }
0x62: {  	_ =	shalt  }
0x63: {  	_ =	shalt  }
0x64: {  	_ =	shalt  }
0x65: {  	_ =	shalt  }
0x66: {  	_ =	shalt  }
0x67: {  	_ =	shalt  }
0x68: {  	_ =	shalt  }
0x69: {  	_ =	shalt  }
0x6a: {  	_ =	shalt  }
0x6b: {  	_ =	shalt  }
0x6c: {  	_ =	shalt  }
0x6d: {  	_ =	shalt  }
0x6e: {  	_ =	shalt  }
0x6f: {  	_ =	shalt  }
0x70: {  	_ =	shalt  }
0x71: {  	_ =	shalt  }
0x72: {  	_ =	shalt  }
0x73: {  	_ =	shalt  }
0x74: {  	_ =	shalt  }
0x75: {  	_ =	shalt  }
0x76: {  	_ =	shalt  }
0x77: {  	_ =	shalt  }
0x78: {  	_ =	shalt  }
0x79: {  	_ =	shalt  }
0x7a: {  	_ =	shalt  }
0x7b: {  	_ =	shalt  }
0x7c: {  	_ =	shalt  }
0x7d: {  	_ =	shalt  }
0x7e: {  	_ =	shalt  }
0x7f: {  	_ =	shalt  }
0x80: {  	_ =	shalt  }
0x81: {  	_ =	shalt  }
0x82: {  	_ =	shalt  }
0x83: {  	_ =	shalt  }
0x84: {  	_ =	shalt  }
0x85: {  	_ =	shalt  }
0x86: {  	_ =	shalt  }
0x87: {  	_ =	shalt  }
.Lfunc_end0:
.L_simem_size_0:
called_computation_lowered:
.L_overlay_start_0:
0x88: {  	s2 =	sld [smem:$0x3FD9]  }
0x89: {  	s3 =	sld [smem:$0x3FFE];
	_ =	sdelay $0x1  }
0x8a: {  	s1 =	srdreg.scid  }
0x8b: {  	s0 =	sand.u32 $0x1, s1  }
0x8c: {  	s16 =	sshll.u32 s0, $0xA;
	s2 =	sadd.s32 s3, s2  }
0x8d: {  	s2 =	sadd.s32 s2, s16  }
0x8e: {  	[smem:$0x3FBF] =	sst s2  }
0x8f: {  	_ = 	snop  }
0x90: {  	(tm) =	ssettm $0x1  }
0x91: {  	s17 =	sld [smem:$0x3FFB];
	_ =	sdelay $0x3  }
0x92: {  	_ =	strace s17  }
0x93: {  	s2 =	sld [smem:$0x3FFC];
	_ =	sdelay $0x3  }
0x94: {  	_ =	strace s2  }
0x95: {  	s2 =	sld [smem:$0x3FFD];
	_ =	sdelay $0x3  }
0x96: {  	_ =	strace s2  }
0x97: {  	_ =	strace $0x8FFFFFFF  }
0x98: {  	s18 =	sld [smem:$0x3FDB];
	_ =	sdelay $0x1  }
0x99: {  	s19 =	simm.s32 $_scs_section_size  }
0x9a: {  	s4 =	simm.s32 $_size__tile_overlayer_lowered;
	s5 =	simm.s32 $_tile_overlayer_lowered  }
0x9b: {  	s22 =	simm.s32 $0x1BFF;
	s21 =	sshll.u32 s5, $0x1;
	s2 =	sadd.s32 s19, s18  }
0x9c: {  	s6 =	simm.s32 $0x0;
	s20 =	sshll.u32 s4, $0x1;
	s4 =	sadd.s32 s21, s2  }
0x9d: {  	[timem:s6], [sflag:s22] =	dma.local [hbm:s4], s20  }
0x9e: {  	_ =	swait.ge [sflag:s22], s20  }
0x9f: {  	s3 =	ssub.s32 $0x0, s20;
	[sflag:s22] =	ssyncset.done $0x0  }
0xa0: {  	[sflag:s22] =	ssyncadd.s32 s3;
	_ =	sdelay $0x1  }
0xa1: {  	s23 =	simm.s32 $0x1B8B  }
0xa2: {  	_ =	swait.ge [sflag:s23], $0x1  }
0xa3: {  	[sflag:s23] =	ssyncset.done $0x0  }
0xa4: {  	s25 =	simm.s32 $0x1B8E;
	s24 =	sld [smem:$0x3FFE];
	[sflag:s23] =	ssyncadd.s32 $0xFFFFFFFF  }
0xa5: {  	s26 =	simm.s32 $execute0_lowered;
	[smem:$0x3FD2] =	sst s25  }
0xa6: {  	s4 =	sshll.u32 s26, $0x1;
	_ =	strace $0x80000046;
	[dreg:$0x1] =	wrdreg $0xFFFFFFFF  }
0xa7: {  	s28 =	simm.s32 $_size_execute0_lowered;
	s2 =	sadd.s32 s2, s4;
	[dreg:$0x0] =	wrdreg $0x0  }
0xa8: {  	s4 =	sshll.u32 s28, $0x1;
	[dreg:$0x2] =	wrdreg s2  }
0xa9: {  	[dreg:$0x3] =	wrdreg s4  }
0xaa: {  	[dreg:$0x4] =	wrdreg $0xC0  }
0xab: {  	_ =	task [dreg:s6], $0x5FFFF  }
0xac: {  	[dreg:$0x1] =	wrdreg $0xFFFFFFFF  }
0xad: {  	[dreg:$0x0] =	wrdreg $0x60  }
0xae: {  	[dreg:$0x2] =	wrdreg s24  }
0xaf: {  	[dreg:$0x3] =	wrdreg $0x9  }
0xb0: {  	_ =	task.clear_ibuf [dreg:s6], $0x4FFFF;
	_ =	strace $0x90000046  }
0xb1: {  	s29 =	simm.s32 $0x9;
	_ =	strace $0x80000048  }
0xb2: {  	_ =	swait.ge [sflag:s29], $0x1  }
0xb3: {  	[sflag:s29] =	ssyncadd.s32 $0xFFFFFFFF  }
0xb4: {  	_ =	strace $0x90000048  }
0xb5: {  	_ =	sfence  }
0xb6: {  	s30 =	sld [smem:$0x0];
	_ =	sdelay $0x2  }
0xb7: {  	s31 =	sshll.u32 s1, $0xD;
	s1 =	sshrl.u32 s1, $0x2  }
0xb8: {  	s3 =	sand.u32 $0x4000, s31;
	s1 =	sadd.s32 s1, s30  }
0xb9: {  	s0 =	sor.u32 s3, s0;
	s1 =	sshll.u32 s1, $0x11  }
0xba: {  	s0 =	sor.u32 s1, s0  }
0xbb: {  	s0 =	sadd.s32 $0x8F2B, s0  }
0xbc: {  	[sflag:s0] =	ssyncadd.remote.s32 $0x1  }
0xbd: {  	_ =	sfence.sel $0xFFFF  }
0xbe: {  	[dreg:$0x0] =	wrdreg $0xFFFFFFFF;
	(pc) =	sbr.abs _section_cstart, $3  }
0xbf: {  	[dreg:$0x1] =	wrdreg $0xFFFFFFFF  }
0xc0: {  	_ =	task.clear_ibuf [dreg:s6], $0x2FFFF;
	_ =	strace $0x9FFFFFFF  }
0xc1: {  	(tm) =	ssettm $0x7FFFFFFF  }
tec
execute0_lowered:
.L_overlay_start_1:
0x0: {  	(tag) =	ssettag $0x1  }
0x1: {  	s4 =	rddreg [dreg:$0x0]  }
0x2: {  	s0 =	rddreg [dreg:$0x1]  }
0x3: {  	s3 =	srdreg.scid;
	s1 =	stileid.u32;
	s2 =	simm.s32 $0x0  }
0x4: {  	s9 =	simm.s32 $0x80;
	s10 =	simm.s32 $0x4000;
	s11 =	simm.s32 $0x8000  }
0x5: {  	s12 =	simm.s32 $0x4080;
	s13 =	simm.s32 $0x8400;
	s14 =	simm.s32 $0x4100  }
0x6: {  	s15 =	simm.s32 $0x8800;
	s16 =	simm.s32 $0x4180;
	s17 =	simm.s32 $0x8C00  }
0x7: {  	s18 =	simm.s32 $0x1;
	s19 =	simm.s32 $0x6000;
	s20 =	simm.s32 $0x6080  }
0x8: {  	s21 =	simm.s32 $0x6100;
	s22 =	simm.s32 $0x6180;
	s23 =	simm.s32 $0x0  }
0x9: {  	s3 =	sand.u32 $0x1, s3;
	s5 =	sshll.u32 s1, $0x1;
	[smem:$0x7FF] =	sst s2  }
0xa: {  	s5 =	sor.u32 s3, s5;
	_ =	strace $0x80000047;
	s7 =	ssub.s32 $0x2, s3  }
0xb: {  	s3 =	sadd.s32 $0xF44000, s4;
	s6 =	sshll.u32 s5, $0xB;
	s5 =	sshll.u32 s5, $0xD  }
0xc: {  	s31 =	sshrl.u32 s7, $0x1;
	s6 =	sadd.s32 s6, s4;
	s8 =	sadd.s32 s5, s4  }
0xd: {  	s7 =	ssub.s32 s7, s31;
	s4 =	sadd.s32 $0x1C00, s6;
	s5 =	sadd.s32 $0x11C00, s8  }
0xe: {  	s6 =	sadd.s32 $0x51C00, s8;
	s7 =	smax.u32 s7, $0x1;
	s8 =	simm.s32 $0x2  }
.LBB2_1:
0xf: {  	[tilespmem:s2], [sflag:$0x2] =	stream.linear.gather [hbm4b:s4+s2], $0x4000, $0x38;
	[tilespmem:$0x18000] =	vst v63  }
0x10: {  	_ =	swait.ge [sflag:s8], $0x4000  }
0x11: {  	[sflag:s8] =	ssyncset.done $0x0  }
0x12: {  	[sflag:s8] =	ssyncadd.s32 $0xFFFFC000  }
0x13: {  	s25 =	simm.s32 $0x200;
	s26 =	simm.s32 $0x0;
	s24 =	simm.s32 $0x80;
	v0 =	vld [tilespmem:s9+$0xFFFFFF80]  }
.LBB2_2:
0x14: {  	p0 =	sne.s32 s25, $0x7E00;
	_ =	sdelay $0x2  }
0x15: {  	s28 =	sshra.s32 s26, $0x2;
	s26 =	smov.u32 s25  }
0x16: {  	[tilespmem:s28+$0x4000] =	vst v0  }
0x17: {  	v0 =	vld [tilespmem:s24+$0xFFFFFF8A];
	_ =	sdelay $0x4  }
0x18: {  	[tilespmem:s28+$0x6000] =	vst v0  }
0x19: {  	v0 =	vld [tilespmem:s24+$0xFFFFFFA0];
	_ =	sdelay $0x4  }
0x1a: {  	[tilespmem:s28+$0x4010] =	vst v0  }
0x1b: {  	v0 =	vld [tilespmem:s24+$0xFFFFFFAA];
	_ =	sdelay $0x4  }
0x1c: {  	[tilespmem:s28+$0x6010] =	vst v0  }
0x1d: {  	v0 =	vld [tilespmem:s24+$0xFFFFFFC0];
	_ =	sdelay $0x4  }
0x1e: {  	[tilespmem:s28+$0x4020] =	vst v0  }
0x1f: {  	v0 =	vld [tilespmem:s24+$0xFFFFFFCA];
	_ =	sdelay $0x4  }
0x20: {  	[tilespmem:s28+$0x6020] =	vst v0  }
0x21: {  	v0 =	vld [tilespmem:s24+$0xFFFFFFE0];
	_ =	sdelay $0x4  }
0x22: {  	[tilespmem:s28+$0x4030] =	vst v0  }
0x23: {  	v0 =	vld [tilespmem:s24+$0xFFFFFFEA];
	_ =	sdelay $0x4  }
0x24: {  	[tilespmem:s28+$0x6030] =	vst v0  }
0x25: {  	v0 =	vld [tilespmem:s24+$0x0];
	_ =	sdelay $0x4  }
0x26: {  	[tilespmem:s28+$0x4040] =	vst v0  }
0x27: {  	v0 =	vld [tilespmem:s24+$0xA];
	_ =	sdelay $0x4  }
0x28: {  	[tilespmem:s28+$0x6040] =	vst v0  }
0x29: {  	v0 =	vld [tilespmem:s24+$0x20];
	_ =	sdelay $0x4  }
0x2a: {  	[tilespmem:s28+$0x4050] =	vst v0  }
0x2b: {  	v0 =	vld [tilespmem:s24+$0x2A];
	_ =	sdelay $0x4  }
0x2c: {  	[tilespmem:s28+$0x6050] =	vst v0  }
0x2d: {  	v0 =	vld [tilespmem:s24+$0x40];
	_ =	sdelay $0x4  }
0x2e: {  	[tilespmem:s28+$0x4060] =	vst v0  }
0x2f: {  	v0 =	vld [tilespmem:s24+$0x4A];
	_ =	sdelay $0x4  }
0x30: {  	[tilespmem:s28+$0x6060] =	vst v0  }
0x31: {  	v0 =	vld [tilespmem:s24+$0x60];
	_ =	sdelay $0x4  }
0x32: {  	[tilespmem:s28+$0x4070] =	vst v0  }
0x33: {  	v0 =	vld [tilespmem:s24+$0x6A];
	_ =	sdelay $0x1  }
.Ltmp0:
0x34: {  	(pc) =	sbr.rel @p0 .LBB2_2-.Ltmp0, $3  }
0x35: {  	_ =	sdelay $0x1  }
0x36: {  	s24 =	sadd.s32 $0x100, s24;
	[tilespmem:s28+$0x6070] =	vst v0  }
0x37: {  	s25 =	sadd.s32 $0x200, s25;
	v0 =	vld [tilespmem:s24+$0xFFFFFF80]  }
0x38: {  	_ =	sdelay $0x2  }
0x39: {  	s25 =	sshra.s32 s26, $0x2  }
0x3a: {  	[tilespmem:s25+$0x4000] =	vst v0  }
0x3b: {  	v0 =	vld [tilespmem:s24+$0xFFFFFF8A];
	_ =	sdelay $0x4  }
0x3c: {  	[tilespmem:s25+$0x6000] =	vst v0  }
0x3d: {  	v0 =	vld [tilespmem:s24+$0xFFFFFFA0];
	_ =	sdelay $0x4  }
0x3e: {  	[tilespmem:s25+$0x4010] =	vst v0  }
0x3f: {  	v0 =	vld [tilespmem:s24+$0xFFFFFFAA];
	_ =	sdelay $0x4  }
0x40: {  	[tilespmem:s25+$0x6010] =	vst v0  }
0x41: {  	v0 =	vld [tilespmem:s24+$0xFFFFFFC0];
	_ =	sdelay $0x4  }
0x42: {  	[tilespmem:s25+$0x4020] =	vst v0  }
0x43: {  	v0 =	vld [tilespmem:s24+$0xFFFFFFCA];
	_ =	sdelay $0x4  }
0x44: {  	[tilespmem:s25+$0x6020] =	vst v0  }
0x45: {  	v0 =	vld [tilespmem:s24+$0xFFFFFFE0];
	_ =	sdelay $0x4  }
0x46: {  	[tilespmem:s25+$0x4030] =	vst v0  }
0x47: {  	v0 =	vld [tilespmem:s24+$0xFFFFFFEA];
	_ =	sdelay $0x4  }
0x48: {  	[tilespmem:s25+$0x6030] =	vst v0  }
0x49: {  	v0 =	vld [tilespmem:s24+$0x0];
	_ =	sdelay $0x4  }
0x4a: {  	[tilespmem:s25+$0x4040] =	vst v0  }
0x4b: {  	v0 =	vld [tilespmem:s24+$0xA];
	_ =	sdelay $0x4  }
0x4c: {  	[tilespmem:s25+$0x6040] =	vst v0  }
0x4d: {  	v0 =	vld [tilespmem:s24+$0x20];
	_ =	sdelay $0x4  }
0x4e: {  	[tilespmem:s25+$0x4050] =	vst v0  }
0x4f: {  	v0 =	vld [tilespmem:s24+$0x2A];
	_ =	sdelay $0x4  }
0x50: {  	[tilespmem:s25+$0x6050] =	vst v0  }
0x51: {  	v0 =	vld [tilespmem:s24+$0x40];
	_ =	sdelay $0x4  }
0x52: {  	[tilespmem:s25+$0x4060] =	vst v0  }
0x53: {  	v0 =	vld [tilespmem:s24+$0x4A];
	_ =	sdelay $0x4  }
0x54: {  	[tilespmem:s25+$0x6060] =	vst v0  }
0x55: {  	v0 =	vld [tilespmem:s24+$0x60];
	_ =	sdelay $0x4  }
0x56: {  	[tilespmem:s25+$0x4070] =	vst v0  }
0x57: {  	v0 =	vld [tilespmem:s24+$0x6A];
	_ =	sdelay $0x4  }
0x58: {  	[tilespmem:s25+$0x6070] =	vst v0  }
0x59: {  	[tilespmem:s11], [sflag:$0x1] =	stream.indirect.gather [hbm4b:s3+s9], $0x8, s10, s9, $0xb8;
	[tilespmem:$0x18000] =	vst v63  }
0x5a: {  	_ = 	snop  }
0x5b: {  	[tilespmem:s13], [sflag:$0x1] =	stream.indirect.gather [hbm4b:s3+s9], $0x8, s12, s9, $0xb8;
	[tilespmem:$0x18000] =	vst v63  }
0x5c: {  	_ = 	snop  }
0x5d: {  	[tilespmem:s15], [sflag:$0x1] =	stream.indirect.gather [hbm4b:s3+s9], $0x8, s14, s9, $0xb8;
	[tilespmem:$0x18000] =	vst v63  }
0x5e: {  	_ = 	snop  }
0x5f: {  	[tilespmem:s17], [sflag:$0x1] =	stream.indirect.gather [hbm4b:s3+s9], $0x8, s16, s9, $0xb8;
	[tilespmem:$0x18000] =	vst v63  }
0x60: {  	s31 =	simm.s32 $0x4200;
	s24 =	simm.s32 $0x9000  }
0x61: {  	[tilespmem:s24], [sflag:$0x1] =	stream.indirect.gather [hbm4b:s3+s9], $0x8, s31, s9, $0xb8;
	[tilespmem:$0x18000] =	vst v63  }
0x62: {  	s25 =	simm.s32 $0xA00;
	_ =	swait.ge [sflag:s18], $0x400  }
.LBB2_4:
0x63: {  	s26 =	sshra.s32 s25, $0x2  }
0x64: {  	[sflag:s18] =	ssyncset.done $0x0;
	s24 =	sadd.s32 $0x400, s24;
	p0 =	sne.s32 s25, $0x7E00  }
.Ltmp1:
0x65: {  	s26 =	sadd.s32 $0x4000, s26;
	[sflag:s18] =	ssyncadd.s32 $0xFFFFFC00;
	(pc) =	sbr.rel @p0 .LBB2_4-.Ltmp1, $3  }
0x66: {  	[tilespmem:s24], [sflag:$0x1] =	stream.indirect.gather [hbm4b:s3+s9], $0x8, s26, s9, $0xb8;
	[tilespmem:$0x18000] =	vst v63  }
0x67: {  	s25 =	sadd.s32 $0x200, s25;
	_ =	sdelay $0x1  }
0x68: {  	_ =	swait.ge [sflag:s18], $0x400  }
0x69: {  	[sflag:s18] =	ssyncset.done $0x0  }
0x6a: {  	[sflag:s18] =	ssyncadd.s32 $0xFFFFFC00  }
0x6b: {  	_ =	swait.ge [sflag:s18], $0x400  }
0x6c: {  	[sflag:s18] =	ssyncset.done $0x0  }
0x6d: {  	[sflag:s18] =	ssyncadd.s32 $0xFFFFFC00  }
0x6e: {  	_ =	swait.ge [sflag:s18], $0x400  }
0x6f: {  	[sflag:s18] =	ssyncset.done $0x0  }
0x70: {  	[sflag:s18] =	ssyncadd.s32 $0xFFFFFC00  }
0x71: {  	_ =	swait.ge [sflag:s18], $0x400  }
0x72: {  	[sflag:s18] =	ssyncset.done $0x0  }
0x73: {  	[sflag:s18] =	ssyncadd.s32 $0xFFFFFC00  }
0x74: {  	_ =	swait.ge [sflag:s18], $0x400  }
0x75: {  	[sflag:s18] =	ssyncset.done $0x0  }
0x76: {  	[sflag:s18] =	ssyncadd.s32 $0xFFFFFC00  }
0x77: {  	[hbm4b:s5+s2] =	stream.linear.scatter [tilespmem:s11], [sflag:$0x2], $0x10000, $0x38;
	[tilespmem:$0x18000] =	vst v63  }
0x78: {  	_ =	swait.ge [sflag:s8], $0x10000  }
0x79: {  	[sflag:s8] =	ssyncset.done $0x0  }
0x7a: {  	[sflag:s8] =	ssyncadd.s32 $0xFFFF0000  }
0x7b: {  	[tilespmem:s11], [sflag:$0x1] =	stream.indirect.gather [hbm4b:s3+s9], $0x8, s19, s9, $0xb8;
	[tilespmem:$0x18000] =	vst v63  }
0x7c: {  	_ = 	snop  }
0x7d: {  	[tilespmem:s13], [sflag:$0x1] =	stream.indirect.gather [hbm4b:s3+s9], $0x8, s20, s9, $0xb8;
	[tilespmem:$0x18000] =	vst v63  }
0x7e: {  	_ = 	snop  }
0x7f: {  	[tilespmem:s15], [sflag:$0x1] =	stream.indirect.gather [hbm4b:s3+s9], $0x8, s21, s9, $0xb8;
	[tilespmem:$0x18000] =	vst v63  }
0x80: {  	_ = 	snop  }
0x81: {  	[tilespmem:s17], [sflag:$0x1] =	stream.indirect.gather [hbm4b:s3+s9], $0x8, s22, s9, $0xb8;
	[tilespmem:$0x18000] =	vst v63  }
0x82: {  	s24 =	simm.s32 $0x9000;
	s25 =	simm.s32 $0x6200  }
0x83: {  	[tilespmem:s24], [sflag:$0x1] =	stream.indirect.gather [hbm4b:s3+s9], $0x8, s25, s9, $0xb8;
	[tilespmem:$0x18000] =	vst v63  }
0x84: {  	s25 =	simm.s32 $0xA00;
	_ =	swait.ge [sflag:s18], $0x400  }
.LBB2_6:
0x85: {  	s26 =	sshra.s32 s25, $0x2  }
0x86: {  	[sflag:s18] =	ssyncset.done $0x0;
	s24 =	sadd.s32 $0x400, s24;
	p0 =	sne.s32 s25, $0x7E00  }
.Ltmp2:
0x87: {  	s26 =	sadd.s32 $0x6000, s26;
	[sflag:s18] =	ssyncadd.s32 $0xFFFFFC00;
	(pc) =	sbr.rel @p0 .LBB2_6-.Ltmp2, $3  }
0x88: {  	[tilespmem:s24], [sflag:$0x1] =	stream.indirect.gather [hbm4b:s3+s9], $0x8, s26, s9, $0xb8;
	[tilespmem:$0x18000] =	vst v63  }
0x89: {  	s25 =	sadd.s32 $0x200, s25;
	_ =	sdelay $0x1  }
0x8a: {  	_ =	swait.ge [sflag:s18], $0x400  }
0x8b: {  	[sflag:s18] =	ssyncset.done $0x0  }
0x8c: {  	[sflag:s18] =	ssyncadd.s32 $0xFFFFFC00  }
0x8d: {  	_ =	swait.ge [sflag:s18], $0x400  }
0x8e: {  	[sflag:s18] =	ssyncset.done $0x0  }
0x8f: {  	[sflag:s18] =	ssyncadd.s32 $0xFFFFFC00  }
0x90: {  	_ =	swait.ge [sflag:s18], $0x400  }
0x91: {  	[sflag:s18] =	ssyncset.done $0x0  }
0x92: {  	[sflag:s18] =	ssyncadd.s32 $0xFFFFFC00  }
0x93: {  	_ =	swait.ge [sflag:s18], $0x400  }
0x94: {  	[sflag:s18] =	ssyncset.done $0x0  }
0x95: {  	[sflag:s18] =	ssyncadd.s32 $0xFFFFFC00  }
0x96: {  	s23 =	sadd.s32 $0x1, s23;
	_ =	swait.ge [sflag:s18], $0x400  }
0x97: {  	p0 =	sne.s32 s23, s7;
	[sflag:s18] =	ssyncset.done $0x0  }
.Ltmp3:
0x98: {  	[sflag:s18] =	ssyncadd.s32 $0xFFFFFC00;
	(pc) =	sbr.rel @p0 .LBB2_1-.Ltmp3, $4  }
0x99: {  	[hbm4b:s6+s2] =	stream.linear.scatter [tilespmem:s11], [sflag:$0x2], $0x10000, $0x38;
	[tilespmem:$0x18000] =	vst v63  }
0x9a: {  	_ =	swait.ge [sflag:s8], $0x10000  }
0x9b: {  	[sflag:s8] =	ssyncset.done $0x0  }
0x9c: {  	[sflag:s8] =	ssyncadd.s32 $0xFFFF0000  }
0x9d: {  	_ =	sfence.sel $0x180000  }
0x9e: {  	[bflag:$0x0] =	sbarrier.arrive $0xFFFF  }
0x9f: {  	p0 =	sne.s32 s1, $0x0;
	_ =	strace $0x90000047  }
0xa0: {  	s0 =	sadd.s32 @!p0 $0x100000, s0;
	[bflag:$0x2] =	sbarrier.arrive $0xFFFF  }
0xa1: {  	[sflag:s0] =	ssyncadd.tile.s32 @!p0 $0x1;
	_ =	shalt  }
.Lfunc_end2:
_tile_overlayer_lowered:
.L_overlay_start_2:
0xa2: {  	(tag) =	ssettag $0x2  }
0xa3: {  	s0 =	rddreg [dreg:$0x0];
	s2 =	stileid.u32  }
0xa4: {  	s1 =	rddreg [dreg:$0x1];
	p0 =	sne.s32 s2, $0x0  }
0xa5: {  	s3 =	rddreg [dreg:$0x2];
	[bflag:$0x3] =	sbarrier.arrive $0xFFFF;
	s2 =	simm.s32 @!p0 $0x1C02  }
0xa6: {  	[timem:s3], [sflag:s2] =	dma.local @!p0 [hbm:s0], s1  }
0xa7: {  	s0 =	simm.s32 @!p0 $0x2  }
0xa8: {  	_ =	swait.ge @!p0 [sflag:s0], s1  }
0xa9: {  	s1 =	ssub.s32 @!p0 $0x0, s1;
	[sflag:s0] =	ssyncset.done @!p0 $0x0  }
0xaa: {  	[sflag:s0] =	ssyncadd.s32 @!p0 s1  }
0xab: {  	[bflag:$0x3] =	sbarrier.arrive $0xFFFF  }
0xac: {  	_ =	shalt  }

</sc_bundles>
